<compile_context>
chip_gen: v7x
topology: tpu7x:2x2x1
jax: 0.10.2.dev20260603
libtpu: 0.0.44.dev20260713+nightly
codegen_flags: <defaults>
</compile_context>

<pallas_src>
import functools

import jax
import jax.numpy as jnp
from jax import lax
from jax.experimental import pallas as pl
from jax.experimental.pallas import tpu as pltpu
from jax.experimental.pallas import tpu_sc as plsc

VOCAB = 100000
EMBED_DIM = 300
EMBED_PAD = 384
BATCH = 4096
SEQ = 50
SEQ_PAD = 56

N_IDX = BATCH * SEQ_PAD
NUM_WORKERS = 32
PER_WORKER = N_IDX // NUM_WORKERS
CHUNK = 128
N_CHUNKS = PER_WORKER // CHUNK

_mesh = plsc.VectorSubcoreMesh(core_axis_name="c", subcore_axis_name="s")


@functools.partial(
    pl.kernel,
    mesh=_mesh,
    out_type=jax.ShapeDtypeStruct((N_IDX, EMBED_PAD), jnp.float32),
    scratch_types=[
        pltpu.VMEM((CHUNK,), jnp.int32),
        pltpu.VMEM((CHUNK, EMBED_PAD), jnp.float32),
        pltpu.SemaphoreType.DMA,
        pltpu.SemaphoreType.DMA,
        pltpu.SemaphoreType.DMA,
    ],
)
def _gather_sc3(idx_hbm, table_hbm, tail_hbm, out_hbm, idx_v, rows_v,
                s0, s1, s2):
    wid = lax.axis_index("s") * 2 + lax.axis_index("c")
    base = wid * PER_WORKER

    def chunk_body(j, carry):
        off = base + j * CHUNK
        pltpu.sync_copy(idx_hbm.at[pl.ds(off, CHUNK)], idx_v)
        c0 = pltpu.async_copy(
            table_hbm.at[:, pl.ds(0, 256)].at[idx_v],
            rows_v.at[:, pl.ds(0, 256)], s0)
        c2 = pltpu.async_copy(
            tail_hbm.at[idx_v], rows_v.at[:, pl.ds(256, 128)], s2)
        c0.wait()
        c2.wait()
        pltpu.sync_copy(rows_v, out_hbm.at[pl.ds(off, CHUNK)])
        return carry

    lax.fori_loop(0, N_CHUNKS, chunk_body, 0)


_TAIL_ROWS = 2000


def _tail_body(t_ref, o_ref):
    cols = lax.broadcasted_iota(jnp.int32, (_TAIL_ROWS, 128), 1)
    o_ref[...] = jnp.where(cols < EMBED_DIM - 256, t_ref[...], 0.0)


_tc_tail = pl.pallas_call(
    _tail_body,
    grid=(VOCAB // _TAIL_ROWS,),
    in_specs=[pl.BlockSpec((_TAIL_ROWS, 128), lambda i: (i, 2))],
    out_specs=pl.BlockSpec((_TAIL_ROWS, 128), lambda i: (i, 0)),
    out_shape=jax.ShapeDtypeStruct((VOCAB, 128), jnp.float32),
)


def kernel(batch, table):
    idxp = jnp.pad(batch, ((0, 0), (0, SEQ_PAD - SEQ)), mode="edge")
    flat = idxp.reshape(N_IDX)
    tail = _tc_tail(table)
    outp = _gather_sc3(flat, table, tail)
    return outp.reshape(BATCH, SEQ_PAD, EMBED_PAD)[:, :SEQ, :EMBED_DIM]

# --- scband reference (transcript-rebuilt; emitter-appended) ---
"""Pipeline reference for scband-word2-vec-29162827940170 (READ-ONLY COPY).

The authoritative reference and input builder live on the scoring server;
editing this copy changes nothing except your own understanding.
"""

import jax, jax.numpy as jnp
import numpy as np

VOCAB = 100000
EMBED_DIM = 300
BATCH = 4096
SEQ = 50


def setup_inputs(seed: int = 0) -> dict:
    key = jax.random.key(seed)
    k_idx, k_tab = jax.random.split(key)
    # token indices into the vocabulary (int32 for CPU jax portability)
    batch = jax.random.randint(k_idx, (BATCH, SEQ), 0, VOCAB, dtype=jnp.int32)
    # static (pretrained, frozen) embedding table standing in for the
    # GoogleNews-vectors-negative300 StaticEmbedding weight matrix
    table = jax.random.normal(k_tab, (VOCAB, EMBED_DIM), dtype=jnp.float32) * 0.02
    return {"batch": batch, "table": table}


def reference(batch, table):
    # Word2Vec.forward: self.embed(batch) -> embedding row gather
    return jnp.take(table, batch, axis=0)

if __name__ == "__main__":
    import jax
    _d = setup_inputs()
    print(jax.jit(kernel)(*tuple(_d.values())))

</pallas_src>

<mosaic_0001>
#map = affine_map<(d0, d1) -> (0)>
#map1 = affine_map<(d0, d1) -> (0, 0)>
module attributes {stable_mosaic.version = 14 : i64} {
  func.func @_gather_sc3(%arg0: i32, %arg1: i32, %arg2: memref<229376xi32, #tpu.memory_space<hbm>>, %arg3: memref<100000x300xf32, #tpu.memory_space<hbm>>, %arg4: memref<100000x128xf32, #tpu.memory_space<hbm>>, %arg5: memref<229376x384xf32, #tpu.memory_space<hbm>>, %arg6: memref<128xi32, #tpu.memory_space<vmem>>, %arg7: memref<128x384xf32, #tpu.memory_space<vmem>>, %arg8: memref<!tpu.dma_semaphore, #tpu.memory_space<semaphore_mem>>, %arg9: memref<!tpu.dma_semaphore, #tpu.memory_space<semaphore_mem>>, %arg10: memref<!tpu.dma_semaphore, #tpu.memory_space<semaphore_mem>>) attributes {dimension_semantics = [#tpu.dimension_semantics<core_parallel>, #tpu.dimension_semantics<subcore_parallel>], iteration_bounds = array<i64: 2, 16>, scalar_prefetch = 0 : i64, scratch_operands = 5 : i64, tpu.core_type = #tpu.core_type<sc_vector_subcore>, window_params = [{transform_indices = #map}, {transform_indices = #map1}, {transform_indices = #map1}, {transform_indices = #map1}]} {
    %mul3A = arith.constant 2 : i32
    %mul3A_0 = arith.muli %arg1, %mul3A : i32
    %add3A = arith.addi %mul3A_0, %arg0 : i32
    %mul3A_1 = arith.constant 7168 : i32
    %mul3A_2 = arith.muli %add3A, %mul3A_1 : i32
    %scan3A = arith.constant 0 : i32
    %scan3A_3 = arith.constant 0 : i32
    %scan3A_4 = arith.constant 56 : i32
    %scan3A_5 = arith.addi %scan3A_3, %scan3A_4 : i32
    %scan3A_6 = arith.constant 1 : i32
    scf.for %scan3A_8 = %scan3A_3 to %scan3A_5 step %scan3A_6  : i32 {
      %mul3A_9 = arith.constant 128 : i32
      %mul3A_10 = arith.muli %scan3A_8, %mul3A_9 : i32
      %add3A_11 = arith.addi %mul3A_2, %mul3A_10 : i32
      "tpu.region"() ({
        %run_scoped3A = tpu.sem_alloc : memref<!tpu.dma_semaphore, #tpu.memory_space<semaphore_mem>>
        %dma_start3A_40 = tpu.memref_slice %arg2[%add3A_11] : memref<229376xi32, #tpu.memory_space<hbm>> -> memref<128xi32, #tpu.memory_space<hbm>>
        %dma_start3A_41 = tpu.memref_slice %arg2[%add3A_11] : memref<229376xi32, #tpu.memory_space<hbm>> -> memref<128xi32, #tpu.memory_space<hbm>>
        tpu.enqueue_dma source(%dma_start3A_41 : memref<128xi32, #tpu.memory_space<hbm>>) target(%arg6 : memref<128xi32, #tpu.memory_space<vmem>>) target_semaphore(%run_scoped3A : memref<!tpu.dma_semaphore, #tpu.memory_space<semaphore_mem>>)
        %dma_wait3A_42 = tpu.memref_slice %arg2[%add3A_11] : memref<229376xi32, #tpu.memory_space<hbm>> -> memref<128xi32, #tpu.memory_space<hbm>>
        %dma_wait3A_43 = tpu.memref_slice %arg2[%add3A_11] : memref<229376xi32, #tpu.memory_space<hbm>> -> memref<128xi32, #tpu.memory_space<hbm>>
        tpu.wait_dma2 semaphore(%run_scoped3A : memref<!tpu.dma_semaphore, #tpu.memory_space<semaphore_mem>>) src(%dma_wait3A_43 : memref<128xi32, #tpu.memory_space<hbm>>) dst(%arg6 : memref<128xi32, #tpu.memory_space<vmem>>)
        tpu.yield
      }) : () -> ()
      %dma_start3A = arith.constant 0 : i32
      %dma_start3A_12 = arith.constant 0 : i32
      %dma_start3A_13 = tpu.memref_slice %arg7[%dma_start3A, %dma_start3A_12] : memref<128x384xf32, #tpu.memory_space<vmem>> -> memref<128x256xf32, #tpu.memory_space<vmem>>
      %dma_start3A_14 = arith.constant 0 : i32
      %dma_start3A_15 = arith.constant 0 : i32
      %dma_start3A_16 = tpu.memref_slice %arg3[%dma_start3A_14, %dma_start3A_15] : memref<100000x300xf32, #tpu.memory_space<hbm>> -> memref<100000x256xf32, #tpu.memory_space<hbm>>
      %dma_start3A_17 = arith.constant 0 : i32
      %dma_start3A_18 = arith.constant 0 : i32
      %dma_start3A_19 = tpu.memref_slice %dma_start3A_16[%dma_start3A_17, %dma_start3A_18] : memref<100000x256xf32, #tpu.memory_space<hbm>> -> memref<100000x256xf32, #tpu.memory_space<hbm>>
      tpu.enqueue_indirect_dma source(%dma_start3A_19 : memref<100000x256xf32, #tpu.memory_space<hbm>>) target(%dma_start3A_13 : memref<128x256xf32, #tpu.memory_space<vmem>>) offsets(%arg6 : memref<128xi32, #tpu.memory_space<vmem>>) semaphore(%arg8 : memref<!tpu.dma_semaphore, #tpu.memory_space<semaphore_mem>>)
      %dma_start3A_20 = arith.constant 0 : i32
      %dma_start3A_21 = arith.constant 256 : i32
      %dma_start3A_22 = tpu.memref_slice %arg7[%dma_start3A_20, %dma_start3A_21] : memref<128x384xf32, #tpu.memory_space<vmem>> -> memref<128x128xf32, #tpu.memory_space<vmem>>
      %dma_start3A_23 = arith.constant 0 : i32
      %dma_start3A_24 = arith.constant 0 : i32
      %dma_start3A_25 = tpu.memref_slice %arg4[%dma_start3A_23, %dma_start3A_24] : memref<100000x128xf32, #tpu.memory_space<hbm>> -> memref<100000x128xf32, #tpu.memory_space<hbm>>
      tpu.enqueue_indirect_dma source(%dma_start3A_25 : memref<100000x128xf32, #tpu.memory_space<hbm>>) target(%dma_start3A_22 : memref<128x128xf32, #tpu.memory_space<vmem>>) offsets(%arg6 : memref<128xi32, #tpu.memory_space<vmem>>) semaphore(%arg10 : memref<!tpu.dma_semaphore, #tpu.memory_space<semaphore_mem>>)
      %dma_wait3A = arith.constant 0 : i32
      %dma_wait3A_26 = arith.constant 0 : i32
      %dma_wait3A_27 = tpu.memref_slice %arg7[%dma_wait3A, %dma_wait3A_26] : memref<128x384xf32, #tpu.memory_space<vmem>> -> memref<128x256xf32, #tpu.memory_space<vmem>>
      %dma_wait3A_28 = arith.constant 0 : i32
      %dma_wait3A_29 = arith.constant 0 : i32
      %dma_wait3A_30 = tpu.memref_slice %arg3[%dma_wait3A_28, %dma_wait3A_29] : memref<100000x300xf32, #tpu.memory_space<hbm>> -> memref<100000x256xf32, #tpu.memory_space<hbm>>
      %dma_wait3A_31 = arith.constant 0 : i32
      %dma_wait3A_32 = arith.constant 0 : i32
      %dma_wait3A_33 = tpu.memref_slice %dma_wait3A_30[%dma_wait3A_31, %dma_wait3A_32] : memref<100000x256xf32, #tpu.memory_space<hbm>> -> memref<100000x256xf32, #tpu.memory_space<hbm>>
      tpu.wait_indirect_dma semaphore(%arg8 : memref<!tpu.dma_semaphore, #tpu.memory_space<semaphore_mem>>) src(%dma_wait3A_33 : memref<100000x256xf32, #tpu.memory_space<hbm>>) dst(%dma_wait3A_27 : memref<128x256xf32, #tpu.memory_space<vmem>>)
      %dma_wait3A_34 = arith.constant 0 : i32
      %dma_wait3A_35 = arith.constant 256 : i32
      %dma_wait3A_36 = tpu.memref_slice %arg7[%dma_wait3A_34, %dma_wait3A_35] : memref<128x384xf32, #tpu.memory_space<vmem>> -> memref<128x128xf32, #tpu.memory_space<vmem>>
      %dma_wait3A_37 = arith.constant 0 : i32
      %dma_wait3A_38 = arith.constant 0 : i32
      %dma_wait3A_39 = tpu.memref_slice %arg4[%dma_wait3A_37, %dma_wait3A_38] : memref<100000x128xf32, #tpu.memory_space<hbm>> -> memref<100000x128xf32, #tpu.memory_space<hbm>>
      tpu.wait_indirect_dma semaphore(%arg10 : memref<!tpu.dma_semaphore, #tpu.memory_space<semaphore_mem>>) src(%dma_wait3A_39 : memref<100000x128xf32, #tpu.memory_space<hbm>>) dst(%dma_wait3A_36 : memref<128x128xf32, #tpu.memory_space<vmem>>)
      "tpu.region"() ({
        %run_scoped3A = tpu.sem_alloc : memref<!tpu.dma_semaphore, #tpu.memory_space<semaphore_mem>>
        %dma_start3A_40 = arith.constant 0 : i32
        %dma_start3A_41 = tpu.memref_slice %arg5[%add3A_11, %dma_start3A_40] : memref<229376x384xf32, #tpu.memory_space<hbm>> -> memref<128x384xf32, #tpu.memory_space<hbm>>
        %dma_start3A_42 = arith.constant 0 : i32
        %dma_start3A_43 = tpu.memref_slice %arg5[%add3A_11, %dma_start3A_42] : memref<229376x384xf32, #tpu.memory_space<hbm>> -> memref<128x384xf32, #tpu.memory_space<hbm>>
        tpu.enqueue_dma source(%arg7 : memref<128x384xf32, #tpu.memory_space<vmem>>) target(%dma_start3A_43 : memref<128x384xf32, #tpu.memory_space<hbm>>) target_semaphore(%run_scoped3A : memref<!tpu.dma_semaphore, #tpu.memory_space<semaphore_mem>>)
        %dma_wait3A_44 = arith.constant 0 : i32
        %dma_wait3A_45 = tpu.memref_slice %arg5[%add3A_11, %dma_wait3A_44] : memref<229376x384xf32, #tpu.memory_space<hbm>> -> memref<128x384xf32, #tpu.memory_space<hbm>>
        %dma_wait3A_46 = arith.constant 0 : i32
        %dma_wait3A_47 = tpu.memref_slice %arg5[%add3A_11, %dma_wait3A_46] : memref<229376x384xf32, #tpu.memory_space<hbm>> -> memref<128x384xf32, #tpu.memory_space<hbm>>
        tpu.wait_dma2 semaphore(%run_scoped3A : memref<!tpu.dma_semaphore, #tpu.memory_space<semaphore_mem>>) src(%arg7 : memref<128x384xf32, #tpu.memory_space<vmem>>) dst(%dma_wait3A_47 : memref<128x384xf32, #tpu.memory_space<hbm>>)
        tpu.yield
      }) : () -> ()
    }
    %scan3A_7 = arith.constant 56 : i32
    return
  }
}

module attributes {stable_mosaic.version = 14 : i64} {
  func.func @_tail_body(%arg0: i32, %arg1: memref<2000x128xf32, #tpu.memory_space<vmem>>, %arg2: memref<2000x128xf32, #tpu.memory_space<vmem>>) attributes {dimension_semantics = [#tpu.dimension_semantics<arbitrary>], iteration_bounds = array<i64: 50>, scalar_prefetch = 0 : i64, scratch_operands = 0 : i64, tpu.core_type = #tpu.core_type<tc>, window_params = [{transform_indices = @transform_0, window_bounds = array<i64: 2000, 128>}, {transform_indices = @transform_1, window_bounds = array<i64: 2000, 128>}]} {
    %iota3A = tpu.iota {dimensions = array<i32: 1>} : vector<2000x128xi32>
    %lt3A = arith.constant 44 : i32
    %lt3A_0 = vector.broadcast %lt3A : i32 to vector<2000x128xi32>
    %lt3A_1 = arith.cmpi slt, %iota3A, %lt3A_0 : vector<2000x128xi32>
    %get3A = arith.constant 0 : index
    %get3A_2 = arith.constant 0 : index
    %get3A_3 = vector.load %arg1[%get3A, %get3A_2] : memref<2000x128xf32, #tpu.memory_space<vmem>>, vector<2000x128xf32>
    %jit3A = arith.constant 0.000000e+00 : f32
    %broadcast_in_dim3A = vector.broadcast %jit3A : f32 to vector<2000x128xf32>
    %select_n3A = arith.select %lt3A_1, %get3A_3, %broadcast_in_dim3A : vector<2000x128xi1>, vector<2000x128xf32>
    %swap3A = arith.constant 0 : index
    %swap3A_4 = arith.constant 0 : index
    %swap3A_5 = vector.load %arg2[%swap3A, %swap3A_4] : memref<2000x128xf32, #tpu.memory_space<vmem>>, vector<2000x128xf32>
    tpu.vector_store %arg2[%swap3A, %swap3A_4], %select_n3A {strides = array<i32>} : memref<2000x128xf32, #tpu.memory_space<vmem>>, vector<2000x128xf32>,
    return
  }
  func.func @transform_0(%arg0: i32) -> (i32, i32) {
    %c2_i32 = arith.constant 2 : i32
    %c0_i32 = arith.constant 0 : i32
    return %arg0, %c2_i32 : i32, i32
  }
  func.func @transform_1(%arg0: i32) -> (i32, i32) {
    %c0_i32 = arith.constant 0 : i32
    %c0_i32_0 = arith.constant 0 : i32
    return %arg0, %c0_i32 : i32, i32
  }
}

</mosaic_0001>

<sc_bundles>
// kernel: kernel.4.cloned.1.call-start
scs
__scs_entry_jumppad:
0x0: {  	(pc) =	sbr.rel $0x88, $3  }
0x1: {  	(tag) =	ssettag $0x0;
	lr =	simm.s32 $0x1  }
0x2: {  	[smem:$0x3F9F] =	sst lr;
	_ =	strace $0xD0000000  }
0x3: {  	_ = 	snop  }
0x4: {  	_ = 	snop  }
0x5: {  	_ = 	snop  }
0x6: {  	_ = 	snop  }
0x7: {  	_ = 	snop  }
__scs_overlays_trampoline_lowered:
0x8: {  	[smem:$0x3FAE] =	sst s0  }
0x9: {  	[smem:$0x3FAF] =	sst s1  }
0xa: {  	[smem:$0x3FB0] =	sst s2  }
0xb: {  	[smem:$0x3FB1] =	sst s3  }
0xc: {  	[smem:$0x3FB2] =	sst s4  }
0xd: {  	[smem:$0x3FB3] =	sst s5  }
0xe: {  	[smem:$0x3FB4] =	sst s6  }
0xf: {  	[smem:$0x3FB5] =	sst s7  }
0x10: {  	[smem:$0x3FB6] =	sst s8  }
0x11: {  	[smem:$0x3FB7] =	sst s9;
	s0 =	simm.s32 @!p0 $0x0  }
0x12: {  	s1 =	sld [smem:$0x3F9D];
	s0 =	simm.s32 @p0 $0x1  }
0x13: {  	[smem:$0x3FB8] =	sst s0;
	s0 =	simm.s32 @!p1 $0x0  }
0x14: {  	s2 =	sld [smem:$0x3F9C];
	s0 =	simm.s32 @p1 $0x1  }
0x15: {  	[smem:$0x3FB9] =	sst s0;
	s0 =	simm.s32 @!p2 $0x0  }
0x16: {  	s3 =	sld [smem:$0x3FDB];
	s0 =	simm.s32 @p2 $0x1  }
0x17: {  	s4 =	simm.s32 $0x1BF5;
	[smem:$0x3FBB] =	sst s0  }
0x18: {  	s0 =	sld [smem:$0x3F9E];
	_ =	swait.ge [sflag:s4], $0x0  }
0x19: {  	s7 =	sld [smem:$0x3F9F]  }
0x1a: {  	s8 =	sadd.s32 $0xFFFFE003, lr  }
0x1b: {  	s9 =	sadd.s32 $0xFFFFFEF7, lr;
	s5 =	simm.s32 $0xFFFFFFFF;
	p2 =	slt.u32 s8, $0xFFFFF086  }
0x1c: {  	p1 =	slt.u32 s9, $0xF7A;
	s5 =	simm.s32 @!p2 $0x0  }
0x1d: {  	s5 =	simm.s32 @p1 $0x1;
	p0 =	seq.s32 s7, s2  }
0x1e: {  	s7 =	smul.u32 @!p0 $0xF7A, s2;
	p2 =	seq.s32 @!p0 s5, $0x0  }
0x1f: {  	s9 =	smul.u32 $0xF7A, s1;
	s8 =	simm.s32 @!p0 $0x1BF5;
	p2 =	por !p2, p0  }
0x20: {  	[sflag:s8] =	ssyncset.s32 @!p0 $0xFFFFF086;
	s6 =	sadd.s32 @!p0 s3, s7;
	s7 =	simm.s32 @!p0 $0x108  }
0x21: {  	s3 =	sadd.s32 s3, s9;
	s6 =	sadd.s32 @!p0 $0x88, s6;
	s7 =	simm.s32 @p2 $0x1082  }
0x22: {  	[simem:s7], [sflag:s8] =	dma.local @!p0 [hbm:s6], $0xF7A  }
0x23: {  	s9 =	sor.u32 $0xD0000000, s2;
	s6 =	simm.s32 $0x108;
	_ =	swait.ge @!p0 [sflag:s8], $0x0  }
0x24: {  	s3 =	sadd.s32 $0x88, s3;
	s6 =	simm.s32 @!p1 $0x1082;
	[sflag:s4] =	ssyncset.s32 $0xFFFFF086  }
0x25: {  	[simem:s6], [sflag:s4] =	dma.local [hbm:s3], $0xF7A  }
0x26: {  	[smem:$0x3F9F] =	sst s1;
	(tag) =	ssettag s2;
	_ =	strace s9  }
0x27: {  	s1 =	sld [smem:$0x3FAF]  }
0x28: {  	s2 =	sld [smem:$0x3FB0]  }
0x29: {  	s4 =	sld [smem:$0x3FB2]  }
0x2a: {  	p0 =	seq.s32 s5, $0x0;
	s5 =	sld [smem:$0x3FB3]  }
0x2b: {  	s6 =	sld [smem:$0x3FB4]  }
0x2c: {  	s7 =	sld [smem:$0x3FB5]  }
0x2d: {  	s3 =	simm.s32 $0x108;
	s8 =	sld [smem:$0x3FB6]  }
0x2e: {  	s3 =	simm.s32 @!p0 $0x1082;
	s9 =	sld [smem:$0x3FB7]  }
0x2f: {  	lr =	sadd.s32 s0, s3;
	s0 =	sld [smem:$0x3FAE]  }
0x30: {  	s3 =	sld [smem:$0x3FB1]  }
0x31: {  	[smem:$0x3FBA] =	sst s10  }
0x32: {  	s10 =	sld [smem:$0x3FB8];
	_ =	sdelay $0x3  }
0x33: {  	p0 =	seq.s32 s10, $0x1;
	s10 =	sld [smem:$0x3FBA];
	_ =	sdelay $0x3  }
0x34: {  	[smem:$0x3FBA] =	sst s10  }
0x35: {  	s10 =	sld [smem:$0x3FB9];
	_ =	sdelay $0x3  }
0x36: {  	p1 =	seq.s32 s10, $0x1;
	s10 =	sld [smem:$0x3FBA];
	_ =	sdelay $0x3  }
0x37: {  	[smem:$0x3FBA] =	sst s10  }
0x38: {  	s10 =	sld [smem:$0x3FBB]  }
0x39: {  	_ = 	snop;
	(pc) =	sbr.ind lr, $3  }
0x3a: {  	_ = 	snop  }
0x3b: {  	_ = 	snop  }
0x3c: {  	p2 =	seq.s32 s10, $0x1;
	s10 =	sld [smem:$0x3FBA]  }
0x3d: {  	_ =	shalt  }
0x3e: {  	_ =	shalt  }
0x3f: {  	_ =	shalt  }
0x40: {  	_ =	shalt  }
0x41: {  	_ =	shalt  }
0x42: {  	_ =	shalt  }
0x43: {  	_ =	shalt  }
0x44: {  	_ =	shalt  }
0x45: {  	_ =	shalt  }
0x46: {  	_ =	shalt  }
0x47: {  	_ =	shalt  }
0x48: {  	_ =	shalt  }
0x49: {  	_ =	shalt  }
0x4a: {  	_ =	shalt  }
0x4b: {  	_ =	shalt  }
0x4c: {  	_ =	shalt  }
0x4d: {  	_ =	shalt  }
0x4e: {  	_ =	shalt  }
0x4f: {  	_ =	shalt  }
0x50: {  	_ =	shalt  }
0x51: {  	_ =	shalt  }
0x52: {  	_ =	shalt  }
0x53: {  	_ =	shalt  }
0x54: {  	_ =	shalt  }
0x55: {  	_ =	shalt  }
0x56: {  	_ =	shalt  }
0x57: {  	_ =	shalt  }
0x58: {  	_ =	shalt  }
0x59: {  	_ =	shalt  }
0x5a: {  	_ =	shalt  }
0x5b: {  	_ =	shalt  }
0x5c: {  	_ =	shalt  }
0x5d: {  	_ =	shalt  }
0x5e: {  	_ =	shalt  }
0x5f: {  	_ =	shalt  }
0x60: {  	_ =	shalt  }
0x61: {  	_ =	shalt  }
0x62: {  	_ =	shalt  }
0x63: {  	_ =	shalt  }
0x64: {  	_ =	shalt  }
0x65: {  	_ =	shalt  }
0x66: {  	_ =	shalt  }
0x67: {  	_ =	shalt  }
0x68: {  	_ =	shalt  }
0x69: {  	_ =	shalt  }
0x6a: {  	_ =	shalt  }
0x6b: {  	_ =	shalt  }
0x6c: {  	_ =	shalt  }
0x6d: {  	_ =	shalt  }
0x6e: {  	_ =	shalt  }
0x6f: {  	_ =	shalt  }
0x70: {  	_ =	shalt  }
0x71: {  	_ =	shalt  }
0x72: {  	_ =	shalt  }
0x73: {  	_ =	shalt  }
0x74: {  	_ =	shalt  }
0x75: {  	_ =	shalt  }
0x76: {  	_ =	shalt  }
0x77: {  	_ =	shalt  }
0x78: {  	_ =	shalt  }
0x79: {  	_ =	shalt  }
0x7a: {  	_ =	shalt  }
0x7b: {  	_ =	shalt  }
0x7c: {  	_ =	shalt  }
0x7d: {  	_ =	shalt  }
0x7e: {  	_ =	shalt  }
0x7f: {  	_ =	shalt  }
0x80: {  	_ =	shalt  }
0x81: {  	_ =	shalt  }
0x82: {  	_ =	shalt  }
0x83: {  	_ =	shalt  }
0x84: {  	_ =	shalt  }
0x85: {  	_ =	shalt  }
0x86: {  	_ =	shalt  }
0x87: {  	_ =	shalt  }
.Lfunc_end0:
.L_simem_size_0:
called_computation.1_lowered:
.L_overlay_start_0:
0x88: {  	s2 =	sld [smem:$0x3FD9]  }
0x89: {  	s3 =	sld [smem:$0x3FFE];
	_ =	sdelay $0x1  }
0x8a: {  	s1 =	srdreg.scid  }
0x8b: {  	s0 =	sand.u32 $0x1, s1  }
0x8c: {  	s17 =	sshll.u32 s0, $0xA;
	s2 =	sadd.s32 s3, s2  }
0x8d: {  	s2 =	sadd.s32 s2, s17  }
0x8e: {  	[smem:$0x3FC6] =	sst s2  }
0x8f: {  	_ = 	snop  }
0x90: {  	s2 =	sld [smem:$0x3FD0];
	(tm) =	ssettm $0x1  }
0x91: {  	s18 =	sld [smem:$0x3FFB];
	_ =	sdelay $0x3  }
0x92: {  	_ =	strace s18  }
0x93: {  	s3 =	sld [smem:$0x3FFC];
	_ =	sdelay $0x3  }
0x94: {  	_ =	strace s3  }
0x95: {  	s3 =	sld [smem:$0x3FFD];
	_ =	sdelay $0x3  }
0x96: {  	_ =	strace s3  }
0x97: {  	_ =	strace $0x8FFFFFFF  }
0x98: {  	s19 =	sld [smem:$0x3FDB];
	_ =	sdelay $0x1  }
0x99: {  	s4 =	simm.s32 $_scs_section_size  }
0x9a: {  	s5 =	simm.s32 $_size__tile_overlayer_lowered;
	s6 =	simm.s32 $_tile_overlayer_lowered  }
0x9b: {  	s22 =	simm.s32 $0x1BFF;
	s21 =	sshll.u32 s6, $0x1;
	s3 =	sadd.s32 s4, s19  }
0x9c: {  	s7 =	simm.s32 $0x0;
	s20 =	sshll.u32 s5, $0x1;
	s5 =	sadd.s32 s21, s3  }
0x9d: {  	[timem:s7], [sflag:s22] =	dma.local [hbm:s5], s20  }
0x9e: {  	_ =	swait.ge [sflag:s22], s20  }
0x9f: {  	s4 =	ssub.s32 $0x0, s20;
	[sflag:s22] =	ssyncset.done $0x0  }
0xa0: {  	[sflag:s22] =	ssyncadd.s32 s4;
	_ =	sdelay $0x1  }
0xa1: {  	s23 =	simm.s32 $0x1B8B  }
0xa2: {  	_ =	swait.ge [sflag:s23], $0x1  }
0xa3: {  	[sflag:s23] =	ssyncset.done $0x0  }
0xa4: {  	s25 =	simm.s32 $0x1B8E;
	s24 =	sld [smem:$0x3FFE];
	[sflag:s23] =	ssyncadd.s32 $0xFFFFFFFF  }
0xa5: {  	s26 =	simm.s32 $execute0_lowered;
	[smem:$0x3FD2] =	sst s25  }
0xa6: {  	s5 =	sshll.u32 s26, $0x1;
	_ =	strace $0x80000046;
	[dreg:$0x1] =	wrdreg $0xFFFFFFFF  }
0xa7: {  	s28 =	simm.s32 $_size_execute0_lowered;
	s3 =	sadd.s32 s3, s5;
	[dreg:$0x0] =	wrdreg $0x0  }
0xa8: {  	s5 =	sshll.u32 s28, $0x1;
	[dreg:$0x2] =	wrdreg s3  }
0xa9: {  	[dreg:$0x3] =	wrdreg s5  }
0xaa: {  	[dreg:$0x4] =	wrdreg $0xC0  }
0xab: {  	_ =	task [dreg:s7], $0x5FFFF  }
0xac: {  	[dreg:$0x1] =	wrdreg $0xFFFFFFFF  }
0xad: {  	[dreg:$0x0] =	wrdreg $0x60  }
0xae: {  	[dreg:$0x2] =	wrdreg s24  }
0xaf: {  	[dreg:$0x3] =	wrdreg s2  }
0xb0: {  	[dreg:$0x4] =	wrdreg $0x9  }
0xb1: {  	_ =	task.clear_ibuf [dreg:s7], $0x5FFFF;
	_ =	strace $0x90000046  }
0xb2: {  	s29 =	simm.s32 $0x9;
	_ =	strace $0x80000048  }
0xb3: {  	_ =	swait.ge [sflag:s29], $0x1  }
0xb4: {  	[sflag:s29] =	ssyncadd.s32 $0xFFFFFFFF  }
0xb5: {  	_ =	strace $0x90000048  }
0xb6: {  	_ =	sfence  }
0xb7: {  	s30 =	sld [smem:$0x0];
	_ =	sdelay $0x2  }
0xb8: {  	s31 =	sshll.u32 s1, $0xD;
	s1 =	sshrl.u32 s1, $0x2  }
0xb9: {  	s3 =	sand.u32 $0x4000, s31;
	s1 =	sadd.s32 s1, s30  }
0xba: {  	s0 =	sor.u32 s3, s0;
	s1 =	sshll.u32 s1, $0x11  }
0xbb: {  	s0 =	sor.u32 s1, s0  }
0xbc: {  	s0 =	sadd.s32 $0x8F2B, s0  }
0xbd: {  	[sflag:s0] =	ssyncadd.remote.s32 $0x1  }
0xbe: {  	_ =	sfence.sel $0xFFFF  }
0xbf: {  	[dreg:$0x0] =	wrdreg $0xFFFFFFFF;
	(pc) =	sbr.abs _section_cstart, $3  }
0xc0: {  	[dreg:$0x1] =	wrdreg $0xFFFFFFFF  }
0xc1: {  	_ =	task.clear_ibuf [dreg:s7], $0x2FFFF;
	_ =	strace $0x9FFFFFFF  }
0xc2: {  	(tm) =	ssettm $0x7FFFFFFF  }
0xc3: {  	_ =	shalt  }
tec
execute0_lowered:
.L_overlay_start_1:
0x0: {  	(tag) =	ssettag $0x1  }
0x1: {  	s0 =	srdreg.scid;
	s1 =	stileid.u32  }
0x2: {  	s5 =	rddreg [dreg:$0x0];
	s0 =	sand.u32 $0x1, s0;
	s1 =	smul.u32 $0x3800, s1  }
0x3: {  	s2 =	rddreg [dreg:$0x1];
	s3 =	smul.u32 $0x1C00, s0  }
0x4: {  	s14 =	simm.s32 $0xC80;
	s15 =	simm.s32 $0x1880;
	s16 =	simm.s32 $0x2480  }
0x5: {  	s6 =	simm.s32 $0x3080;
	s1 =	sadd.s32 s3, s1;
	s3 =	simm.s32 $0x0  }
0x6: {  	s17 =	simm.s32 $0x3C80;
	s18 =	simm.s32 $0x4880;
	[smem:$0x7FF] =	sst s3  }
0x7: {  	s19 =	simm.s32 $0x5480;
	_ =	strace $0x80000047;
	[dreg:$0x4] =	wrdreg s14  }
0x8: {  	s21 =	simm.s32 $0x6080;
	s22 =	simm.s32 $0x6C80;
	[dreg:$0x5] =	wrdreg s15  }
0x9: {  	s23 =	simm.s32 $0x7880;
	s25 =	simm.s32 $0x8480;
	[dreg:$0x6] =	wrdreg s16  }
0xa: {  	s7 =	simm.s32 $0x3;
	s26 =	simm.s32 $0x9080;
	[dreg:$0x7] =	wrdreg s6  }
0xb: {  	s8 =	simm.s32 $0x80;
	s0 =	ssub.s32 $0x2, s0;
	[dreg:$0x8] =	wrdreg s17  }
0xc: {  	s9 =	simm.s32 $0x9C80;
	s20 =	sshrl.u32 s0, $0x1;
	[dreg:$0x9] =	wrdreg s18  }
0xd: {  	s10 =	simm.s32 $0xA880;
	s0 =	ssub.s32 s0, s20;
	[dreg:$0xa] =	wrdreg s19  }
0xe: {  	s11 =	simm.s32 $0xB480;
	s0 =	smax.u32 s0, $0x1;
	[dreg:$0xb] =	wrdreg s21  }
0xf: {  	s12 =	simm.s32 $0x880;
	s13 =	simm.s32 $0x1480;
	[dreg:$0x10] =	wrdreg s0  }
0x10: {  	s28 =	simm.s32 $0xBC80;
	s29 =	simm.s32 $0x1;
	[dreg:$0xc] =	wrdreg s22  }
0x11: {  	s30 =	simm.s32 $0x2;
	s31 =	simm.s32 $0x0;
	[dreg:$0xd] =	wrdreg s23  }
0x12: {  	s20 =	simm.s32 $0x6880;
	s1 =	sshrl.u32 s1, $0x3;
	[dreg:$0xe] =	wrdreg s25  }
0x13: {  	s4 =	sadd.s32 s1, s5;
	s1 =	smul.u32 $0x180, s1;
	[dreg:$0xf] =	wrdreg s26  }
0x14: {  	s14 =	simm.s32 $0x2080;
	s15 =	simm.s32 $0x2C80;
	s16 =	simm.s32 $0x3880  }
0x15: {  	s17 =	simm.s32 $0x4480;
	s18 =	simm.s32 $0x5080;
	s19 =	simm.s32 $0x5C80  }
0x16: {  	s21 =	simm.s32 $0x7480;
	s22 =	simm.s32 $0x8080;
	s23 =	simm.s32 $0x8C80  }
0x17: {  	v2 =	vlaneseq.u32;
	s25 =	simm.s32 $0xA480;
	s4 =	sadd.s32 $0x800, s4;
	s1 =	sadd.s32 s1, s5  }
0x18: {  	vm0 =	vmmov $0xffff;
	vm1 =	vmmov $0xff;
	v1 =	vshrl.u32 v2, $0x3;
	s26 =	simm.s32 $0xB080;
	[dreg:$0x3] =	wrdreg s4;
	s24 =	sadd.s32 $0x18E200, s1  }
0x19: {  	v0 =	vand.u32 $0x7, v2;
	v2 =	vor.u32 $0x8, v2;
	v1 =	vmul.u32 $0x8, v1;
	s4 =	sadd.s32 $0x7800, s5;
	[dreg:$0x11] =	wrdreg s24;
	s24 =	simm.s32 $0x9880  }
.LBB2_1:
0x1a: {  	s1 =	simm.s32 $0x0;
	s6 =	rddreg [dreg:$0x11]  }
.LBB2_2:
0x1b: {  	s5 =	rddreg [dreg:$0x3]  }
0x1c: {  	s5 =	sadd.s32 s1, s5  }
0x1d: {  	[tilespmem:s3], [sflag:$0x3] =	stream.linear.gather [hbm4b:s5+s3], $0x80, $0x38;
	[tilespmem:$0xC080] =	vst v63  }
0x1e: {  	_ =	swait.ge [sflag:s7], $0x80  }
0x1f: {  	[sflag:s7] =	ssyncset.done $0x0  }
0x20: {  	[sflag:s7] =	ssyncadd.s32 $0xFFFFFF80  }
0x21: {  	v3 =	vld [tilespmem:$0x0];
	_ =	sdelay $0x4  }
0x22: {  	v4 =	vshrl.u32 v3, $0x3  }
0x23: {  	v4 =	vmul.u32 $0x18, v4  }
0x24: {  	v3 =	vand.u32 $0x7, v3  }
0x25: {  	v3 =	vor.u32 v3, v4  }
0x26: {  	v4 =	vperm.xlane v3, v0;
	_ =	sdelay $0x1  }
0x27: {  	v3 =	vperm.xlane v3, v2;
	v4 =	vadd.s32 v1, v4;
	_ =	sdelay $0x1  }
0x28: {  	v3 =	vadd.s32 v1, v3;
	_ =	sdelay $0x2  }
0x29: {  	[tilespmem:s8], [sflag:$0x1] =	stream.indirect_vreg.gather [hbm4b:s2+s3], $0x80, v4, vm0, $0xb8;
	[tilespmem:$0xC080] =	vst v63  }
0x2a: {  	s0 =	rddreg [dreg:$0x4]  }
0x2b: {  	[tilespmem:s0], [sflag:$0x1] =	stream.indirect_vreg.gather [hbm4b:s2+s3], $0x80, v3, vm0, $0xb8;
	[tilespmem:$0xC080] =	vst v63  }
0x2c: {  	v3 =	vld [tilespmem:$0x10];
	_ =	sdelay $0x4  }
0x2d: {  	v49 =	vshrl.u32 v3, $0x3  }
0x2e: {  	v4 =	vmul.u32 $0x18, v49  }
0x2f: {  	v3 =	vand.u32 $0x7, v3  }
0x30: {  	v3 =	vor.u32 v3, v4  }
0x31: {  	v4 =	vperm.xlane v3, v0;
	_ =	sdelay $0x1  }
0x32: {  	v3 =	vperm.xlane v3, v2;
	v4 =	vadd.s32 v1, v4;
	_ =	sdelay $0x1  }
0x33: {  	v3 =	vadd.s32 v1, v3;
	_ =	sdelay $0x1  }
0x34: {  	s5 =	rddreg [dreg:$0x5]  }
0x35: {  	[tilespmem:s5], [sflag:$0x1] =	stream.indirect_vreg.gather [hbm4b:s2+s3], $0x80, v4, vm0, $0xb8;
	[tilespmem:$0xC080] =	vst v63  }
0x36: {  	s0 =	rddreg [dreg:$0x6]  }
0x37: {  	[tilespmem:s0], [sflag:$0x1] =	stream.indirect_vreg.gather [hbm4b:s2+s3], $0x80, v3, vm0, $0xb8;
	[tilespmem:$0xC080] =	vst v63  }
0x38: {  	v3 =	vld [tilespmem:$0x20];
	_ =	sdelay $0x4  }
0x39: {  	v50 =	vshrl.u32 v3, $0x3  }
0x3a: {  	v4 =	vmul.u32 $0x18, v50  }
0x3b: {  	v3 =	vand.u32 $0x7, v3  }
0x3c: {  	v3 =	vor.u32 v3, v4  }
0x3d: {  	v4 =	vperm.xlane v3, v0;
	_ =	sdelay $0x1  }
0x3e: {  	v3 =	vperm.xlane v3, v2;
	v4 =	vadd.s32 v1, v4;
	_ =	sdelay $0x1  }
0x3f: {  	v3 =	vadd.s32 v1, v3;
	_ =	sdelay $0x1  }
0x40: {  	s0 =	rddreg [dreg:$0x7]  }
0x41: {  	[tilespmem:s0], [sflag:$0x1] =	stream.indirect_vreg.gather [hbm4b:s2+s3], $0x80, v4, vm0, $0xb8;
	[tilespmem:$0xC080] =	vst v63  }
0x42: {  	s5 =	rddreg [dreg:$0x8]  }
0x43: {  	[tilespmem:s5], [sflag:$0x1] =	stream.indirect_vreg.gather [hbm4b:s2+s3], $0x80, v3, vm0, $0xb8;
	[tilespmem:$0xC080] =	vst v63  }
0x44: {  	v3 =	vld [tilespmem:$0x30];
	_ =	sdelay $0x4  }
0x45: {  	v51 =	vshrl.u32 v3, $0x3  }
0x46: {  	v4 =	vmul.u32 $0x18, v51  }
0x47: {  	v3 =	vand.u32 $0x7, v3  }
0x48: {  	v3 =	vor.u32 v3, v4  }
0x49: {  	v4 =	vperm.xlane v3, v0;
	_ =	sdelay $0x1  }
0x4a: {  	v3 =	vperm.xlane v3, v2;
	v4 =	vadd.s32 v1, v4;
	_ =	sdelay $0x1  }
0x4b: {  	v3 =	vadd.s32 v1, v3;
	_ =	sdelay $0x1  }
0x4c: {  	s0 =	rddreg [dreg:$0x9]  }
0x4d: {  	[tilespmem:s0], [sflag:$0x1] =	stream.indirect_vreg.gather [hbm4b:s2+s3], $0x80, v4, vm0, $0xb8;
	[tilespmem:$0xC080] =	vst v63  }
0x4e: {  	s5 =	rddreg [dreg:$0xa]  }
0x4f: {  	[tilespmem:s5], [sflag:$0x1] =	stream.indirect_vreg.gather [hbm4b:s2+s3], $0x80, v3, vm0, $0xb8;
	[tilespmem:$0xC080] =	vst v63  }
0x50: {  	v3 =	vld [tilespmem:$0x40];
	_ =	sdelay $0x4  }
0x51: {  	v52 =	vshrl.u32 v3, $0x3  }
0x52: {  	v4 =	vmul.u32 $0x18, v52  }
0x53: {  	v3 =	vand.u32 $0x7, v3  }
0x54: {  	v3 =	vor.u32 v3, v4  }
0x55: {  	v4 =	vperm.xlane v3, v0;
	_ =	sdelay $0x1  }
0x56: {  	v3 =	vperm.xlane v3, v2;
	v4 =	vadd.s32 v1, v4;
	_ =	sdelay $0x1  }
0x57: {  	v3 =	vadd.s32 v1, v3;
	_ =	sdelay $0x1  }
0x58: {  	s0 =	rddreg [dreg:$0xb]  }
0x59: {  	[tilespmem:s0], [sflag:$0x1] =	stream.indirect_vreg.gather [hbm4b:s2+s3], $0x80, v4, vm0, $0xb8;
	[tilespmem:$0xC080] =	vst v63  }
0x5a: {  	s5 =	rddreg [dreg:$0xc]  }
0x5b: {  	[tilespmem:s5], [sflag:$0x1] =	stream.indirect_vreg.gather [hbm4b:s2+s3], $0x80, v3, vm0, $0xb8;
	[tilespmem:$0xC080] =	vst v63  }
0x5c: {  	v3 =	vld [tilespmem:$0x50];
	_ =	sdelay $0x4  }
0x5d: {  	v53 =	vshrl.u32 v3, $0x3  }
0x5e: {  	v4 =	vmul.u32 $0x18, v53  }
0x5f: {  	v3 =	vand.u32 $0x7, v3  }
0x60: {  	v3 =	vor.u32 v3, v4  }
0x61: {  	v4 =	vperm.xlane v3, v0;
	_ =	sdelay $0x1  }
0x62: {  	v3 =	vperm.xlane v3, v2;
	v4 =	vadd.s32 v1, v4;
	_ =	sdelay $0x1  }
0x63: {  	v3 =	vadd.s32 v1, v3;
	_ =	sdelay $0x1  }
0x64: {  	s0 =	rddreg [dreg:$0xd]  }
0x65: {  	[tilespmem:s0], [sflag:$0x1] =	stream.indirect_vreg.gather [hbm4b:s2+s3], $0x80, v4, vm0, $0xb8;
	[tilespmem:$0xC080] =	vst v63  }
0x66: {  	s5 =	rddreg [dreg:$0xe]  }
0x67: {  	[tilespmem:s5], [sflag:$0x1] =	stream.indirect_vreg.gather [hbm4b:s2+s3], $0x80, v3, vm0, $0xb8;
	[tilespmem:$0xC080] =	vst v63  }
0x68: {  	v3 =	vld [tilespmem:$0x60];
	_ =	sdelay $0x4  }
0x69: {  	v54 =	vshrl.u32 v3, $0x3  }
0x6a: {  	v4 =	vmul.u32 $0x18, v54  }
0x6b: {  	v3 =	vand.u32 $0x7, v3  }
0x6c: {  	v3 =	vor.u32 v3, v4  }
0x6d: {  	v4 =	vperm.xlane v3, v0;
	_ =	sdelay $0x1  }
0x6e: {  	v3 =	vperm.xlane v3, v2;
	v4 =	vadd.s32 v1, v4;
	_ =	sdelay $0x1  }
0x6f: {  	v3 =	vadd.s32 v1, v3;
	_ =	sdelay $0x1  }
0x70: {  	s5 =	rddreg [dreg:$0xf]  }
0x71: {  	[tilespmem:s5], [sflag:$0x1] =	stream.indirect_vreg.gather [hbm4b:s2+s3], $0x80, v4, vm0, $0xb8;
	[tilespmem:$0xC080] =	vst v63  }
0x72: {  	_ = 	snop  }
0x73: {  	[tilespmem:s9], [sflag:$0x1] =	stream.indirect_vreg.gather [hbm4b:s2+s3], $0x80, v3, vm0, $0xb8;
	[tilespmem:$0xC080] =	vst v63  }
0x74: {  	v3 =	vld [tilespmem:$0x70];
	_ =	sdelay $0x4  }
0x75: {  	v55 =	vshrl.u32 v3, $0x3  }
0x76: {  	v4 =	vmul.u32 $0x18, v55  }
0x77: {  	v3 =	vand.u32 $0x7, v3  }
0x78: {  	v3 =	vor.u32 v3, v4  }
0x79: {  	v4 =	vperm.xlane v3, v0;
	_ =	sdelay $0x1  }
0x7a: {  	v3 =	vperm.xlane v3, v2;
	v4 =	vadd.s32 v1, v4;
	_ =	sdelay $0x1  }
0x7b: {  	v3 =	vadd.s32 v1, v3;
	_ =	sdelay $0x2  }
0x7c: {  	[tilespmem:s10], [sflag:$0x1] =	stream.indirect_vreg.gather [hbm4b:s2+s3], $0x80, v4, vm0, $0xb8;
	[tilespmem:$0xC080] =	vst v63  }
0x7d: {  	_ = 	snop  }
0x7e: {  	[tilespmem:s11], [sflag:$0x1] =	stream.indirect_vreg.gather [hbm4b:s2+s3], $0x80, v3, vm0, $0xb8;
	[tilespmem:$0xC080] =	vst v63  }
0x7f: {  	v3 =	vld [tilespmem:$0x0];
	_ =	sdelay $0x4  }
0x80: {  	v56 =	vperm.xlane v3, v0;
	_ =	sdelay $0x1  }
0x81: {  	v3 =	vperm.xlane v3, v2;
	v4 =	vadd.s32 v1, v56;
	_ =	sdelay $0x1  }
0x82: {  	v3 =	vadd.s32 v1, v3;
	_ =	sdelay $0x2  }
0x83: {  	[tilespmem:s12], [sflag:$0x2] =	stream.indirect_vreg.gather [hbm4b:s4+s3], $0x80, v4, vm1, $0xb8;
	[tilespmem:$0xC080] =	vst v63  }
0x84: {  	_ = 	snop  }
0x85: {  	[tilespmem:s13], [sflag:$0x2] =	stream.indirect_vreg.gather [hbm4b:s4+s3], $0x80, v3, vm1, $0xb8;
	[tilespmem:$0xC080] =	vst v63  }
0x86: {  	v3 =	vld [tilespmem:$0x10];
	_ =	sdelay $0x4  }
0x87: {  	v57 =	vperm.xlane v3, v0;
	_ =	sdelay $0x1  }
0x88: {  	v3 =	vperm.xlane v3, v2;
	v4 =	vadd.s32 v1, v57;
	_ =	sdelay $0x1  }
0x89: {  	v3 =	vadd.s32 v1, v3;
	_ =	sdelay $0x2  }
0x8a: {  	[tilespmem:s14], [sflag:$0x2] =	stream.indirect_vreg.gather [hbm4b:s4+s3], $0x80, v4, vm1, $0xb8;
	[tilespmem:$0xC080] =	vst v63  }
0x8b: {  	_ = 	snop  }
0x8c: {  	[tilespmem:s15], [sflag:$0x2] =	stream.indirect_vreg.gather [hbm4b:s4+s3], $0x80, v3, vm1, $0xb8;
	[tilespmem:$0xC080] =	vst v63  }
0x8d: {  	v3 =	vld [tilespmem:$0x20];
	_ =	sdelay $0x4  }
0x8e: {  	v58 =	vperm.xlane v3, v0;
	_ =	sdelay $0x1  }
0x8f: {  	v3 =	vperm.xlane v3, v2;
	v4 =	vadd.s32 v1, v58;
	_ =	sdelay $0x1  }
0x90: {  	v3 =	vadd.s32 v1, v3;
	_ =	sdelay $0x2  }
0x91: {  	[tilespmem:s16], [sflag:$0x2] =	stream.indirect_vreg.gather [hbm4b:s4+s3], $0x80, v4, vm1, $0xb8;
	[tilespmem:$0xC080] =	vst v63  }
0x92: {  	_ = 	snop  }
0x93: {  	[tilespmem:s17], [sflag:$0x2] =	stream.indirect_vreg.gather [hbm4b:s4+s3], $0x80, v3, vm1, $0xb8;
	[tilespmem:$0xC080] =	vst v63  }
0x94: {  	v3 =	vld [tilespmem:$0x30];
	_ =	sdelay $0x4  }
0x95: {  	v59 =	vperm.xlane v3, v0;
	_ =	sdelay $0x1  }
0x96: {  	v3 =	vperm.xlane v3, v2;
	v4 =	vadd.s32 v1, v59;
	_ =	sdelay $0x1  }
0x97: {  	v3 =	vadd.s32 v1, v3;
	_ =	sdelay $0x2  }
0x98: {  	[tilespmem:s18], [sflag:$0x2] =	stream.indirect_vreg.gather [hbm4b:s4+s3], $0x80, v4, vm1, $0xb8;
	[tilespmem:$0xC080] =	vst v63  }
0x99: {  	_ = 	snop  }
0x9a: {  	[tilespmem:s19], [sflag:$0x2] =	stream.indirect_vreg.gather [hbm4b:s4+s3], $0x80, v3, vm1, $0xb8;
	[tilespmem:$0xC080] =	vst v63  }
0x9b: {  	v3 =	vld [tilespmem:$0x40];
	_ =	sdelay $0x4  }
0x9c: {  	v60 =	vperm.xlane v3, v0;
	_ =	sdelay $0x1  }
0x9d: {  	v3 =	vperm.xlane v3, v2;
	v4 =	vadd.s32 v1, v60;
	_ =	sdelay $0x1  }
0x9e: {  	v3 =	vadd.s32 v1, v3;
	_ =	sdelay $0x2  }
0x9f: {  	[tilespmem:s20], [sflag:$0x2] =	stream.indirect_vreg.gather [hbm4b:s4+s3], $0x80, v4, vm1, $0xb8;
	[tilespmem:$0xC080] =	vst v63  }
0xa0: {  	_ = 	snop  }
0xa1: {  	[tilespmem:s21], [sflag:$0x2] =	stream.indirect_vreg.gather [hbm4b:s4+s3], $0x80, v3, vm1, $0xb8;
	[tilespmem:$0xC080] =	vst v63  }
0xa2: {  	v3 =	vld [tilespmem:$0x50];
	_ =	sdelay $0x4  }
0xa3: {  	v61 =	vperm.xlane v3, v0;
	_ =	sdelay $0x1  }
0xa4: {  	v3 =	vperm.xlane v3, v2;
	v4 =	vadd.s32 v1, v61;
	_ =	sdelay $0x1  }
0xa5: {  	v3 =	vadd.s32 v1, v3;
	_ =	sdelay $0x2  }
0xa6: {  	[tilespmem:s22], [sflag:$0x2] =	stream.indirect_vreg.gather [hbm4b:s4+s3], $0x80, v4, vm1, $0xb8;
	[tilespmem:$0xC080] =	vst v63  }
0xa7: {  	_ = 	snop  }
0xa8: {  	[tilespmem:s23], [sflag:$0x2] =	stream.indirect_vreg.gather [hbm4b:s4+s3], $0x80, v3, vm1, $0xb8;
	[tilespmem:$0xC080] =	vst v63  }
0xa9: {  	v3 =	vld [tilespmem:$0x60];
	_ =	sdelay $0x4  }
0xaa: {  	v62 =	vperm.xlane v3, v0;
	_ =	sdelay $0x1  }
0xab: {  	v3 =	vperm.xlane v3, v2;
	v4 =	vadd.s32 v1, v62;
	_ =	sdelay $0x1  }
0xac: {  	v3 =	vadd.s32 v1, v3;
	_ =	sdelay $0x2  }
0xad: {  	[tilespmem:s24], [sflag:$0x2] =	stream.indirect_vreg.gather [hbm4b:s4+s3], $0x80, v4, vm1, $0xb8;
	[tilespmem:$0xC080] =	vst v63  }
0xae: {  	_ = 	snop  }
0xaf: {  	[tilespmem:s25], [sflag:$0x2] =	stream.indirect_vreg.gather [hbm4b:s4+s3], $0x80, v3, vm1, $0xb8;
	[tilespmem:$0xC080] =	vst v63  }
0xb0: {  	v3 =	vld [tilespmem:$0x70];
	_ =	sdelay $0x4  }
0xb1: {  	v63 =	vperm.xlane v3, v0;
	_ =	sdelay $0x1  }
0xb2: {  	v3 =	vperm.xlane v3, v2;
	v4 =	vadd.s32 v1, v63;
	_ =	sdelay $0x1  }
0xb3: {  	v3 =	vadd.s32 v1, v3;
	_ =	sdelay $0x2  }
0xb4: {  	[tilespmem:s26], [sflag:$0x2] =	stream.indirect_vreg.gather [hbm4b:s4+s3], $0x80, v4, vm1, $0xb8;
	[tilespmem:$0xC080] =	vst v63  }
0xb5: {  	_ = 	snop  }
0xb6: {  	[tilespmem:s28], [sflag:$0x2] =	stream.indirect_vreg.gather [hbm4b:s4+s3], $0x80, v3, vm1, $0xb8;
	[tilespmem:$0xC080] =	vst v63  }
0xb7: {  	_ =	swait.ge [sflag:s29], $0x8000  }
0xb8: {  	[sflag:s29] =	ssyncset.done $0x0  }
0xb9: {  	[sflag:s29] =	ssyncadd.s32 $0xFFFF8000  }
0xba: {  	_ =	swait.ge [sflag:s30], $0x4000  }
0xbb: {  	p0 =	sne.s32 s1, $0x370;
	[sflag:s30] =	ssyncset.done $0x0  }
.Ltmp0:
0xbc: {  	[sflag:s30] =	ssyncadd.s32 $0xFFFFC000;
	(pc) =	sbr.rel @p0 .LBB2_2-.Ltmp0, $4  }
0xbd: {  	[hbm4b:s6+s3] =	stream.linear.scatter [tilespmem:s8], [sflag:$0x3], $0xC000, $0x38;
	[tilespmem:$0xC080] =	vst v63  }
0xbe: {  	_ =	swait.ge [sflag:s7], $0xC000  }
0xbf: {  	[sflag:s7] =	ssyncset.done $0x0  }
0xc0: {  	s1 =	sadd.s32 $0x10, s1;
	s6 =	sadd.s32 $0x1800, s6;
	[sflag:s7] =	ssyncadd.s32 $0xFFFF4000  }
0xc1: {  	s31 =	sadd.s32 $0x1, s31;
	s0 =	rddreg [dreg:$0x10]  }
0xc2: {  	p0 =	sne.s32 s31, s0  }
.Ltmp1:
0xc3: {  	_ = 	snop;
	(pc) =	sbr.rel @p0 .LBB2_1-.Ltmp1, $1  }
0xc4: {  	_ =	sdelay $0x3  }
0xc5: {  	_ =	sfence.sel $0x180000  }
0xc6: {  	[bflag:$0x0] =	sbarrier.arrive $0xFFFF  }
0xc7: {  	_ =	strace $0x90000047  }
0xc8: {  	s0 =	stileid.u32;
	[bflag:$0x2] =	sbarrier.arrive $0xFFFF  }
0xc9: {  	p0 =	sne.s32 s0, $0x0;
	s0 =	rddreg [dreg:$0x2]  }
0xca: {  	s0 =	sadd.s32 @!p0 $0x100000, s0  }
0xcb: {  	[sflag:s0] =	ssyncadd.tile.s32 @!p0 $0x1;
	_ =	shalt  }
.Lfunc_end2:
_tile_overlayer_lowered:
.L_overlay_start_2:
0xcc: {  	(tag) =	ssettag $0x2  }
0xcd: {  	s0 =	rddreg [dreg:$0x0];
	s2 =	stileid.u32  }
0xce: {  	s1 =	rddreg [dreg:$0x1];
	p0 =	sne.s32 s2, $0x0  }
0xcf: {  	s3 =	rddreg [dreg:$0x2];
	[bflag:$0x3] =	sbarrier.arrive $0xFFFF;
	s2 =	simm.s32 @!p0 $0x1C03  }
0xd0: {  	[timem:s3], [sflag:s2] =	dma.local @!p0 [hbm:s0], s1  }
0xd1: {  	s0 =	simm.s32 @!p0 $0x3  }
0xd2: {  	_ =	swait.ge @!p0 [sflag:s0], s1  }
0xd3: {  	s1 =	ssub.s32 @!p0 $0x0, s1;
	[sflag:s0] =	ssyncset.done @!p0 $0x0  }
0xd4: {  	[sflag:s0] =	ssyncadd.s32 @!p0 s1  }
0xd5: {  	[bflag:$0x3] =	sbarrier.arrive $0xFFFF  }
0xd6: {  	_ =	shalt  }

// kernel: sparse-core-data-format-call.cloned.1.call-start
scs
called_computation_lowered:
.L_overlay_start_0:
0x0: {  	s2 =	sld [smem:$0x3FD9]  }
0x1: {  	s3 =	sld [smem:$0x3FFE];
	_ =	sdelay $0x1  }
0x2: {  	s1 =	srdreg.scid  }
0x3: {  	s0 =	sand.u32 $0x1, s1  }
0x4: {  	s18 =	sshll.u32 s0, $0xA;
	s2 =	sadd.s32 s3, s2  }
0x5: {  	s2 =	sadd.s32 s2, s18  }
0x6: {  	[smem:$0x3FC6] =	sst s2  }
0x7: {  	_ = 	snop  }
0x8: {  	s2 =	sld [smem:$0x3FD0];
	(tm) =	ssettm $0x1  }
0x9: {  	s19 =	sld [smem:$0x3FFB];
	_ =	sdelay $0x3  }
0xa: {  	_ =	strace s19  }
0xb: {  	s3 =	sld [smem:$0x3FFC];
	_ =	sdelay $0x3  }
0xc: {  	_ =	strace s3  }
0xd: {  	s3 =	sld [smem:$0x3FFD];
	_ =	sdelay $0x3  }
0xe: {  	_ =	strace s3  }
0xf: {  	_ =	strace $0x8FFFFFFF  }
0x10: {  	s20 =	sld [smem:$0x3FDB];
	_ =	sdelay $0x1  }
0x11: {  	s4 =	simm.s32 $_scs_section_size  }
0x12: {  	s5 =	simm.s32 $_size__tile_overlayer_lowered;
	s6 =	simm.s32 $_tile_overlayer_lowered  }
0x13: {  	s23 =	simm.s32 $0x1BFF;
	s22 =	sshll.u32 s6, $0x1;
	s3 =	sadd.s32 s4, s20  }
0x14: {  	s7 =	simm.s32 $0x0;
	s21 =	sshll.u32 s5, $0x1;
	s5 =	sadd.s32 s22, s3  }
0x15: {  	[timem:s7], [sflag:s23] =	dma.local [hbm:s5], s21  }
0x16: {  	_ =	swait.ge [sflag:s23], s21  }
0x17: {  	s4 =	ssub.s32 $0x0, s21;
	[sflag:s23] =	ssyncset.done $0x0  }
0x18: {  	[sflag:s23] =	ssyncadd.s32 s4;
	_ =	sdelay $0x1  }
0x19: {  	s24 =	simm.s32 $0x1B8B  }
0x1a: {  	_ =	swait.ge [sflag:s24], $0x1  }
0x1b: {  	[sflag:s24] =	ssyncset.done $0x0  }
0x1c: {  	s26 =	simm.s32 $0x1B8E;
	s25 =	sld [smem:$0x3FFE];
	[sflag:s24] =	ssyncadd.s32 $0xFFFFFFFF  }
0x1d: {  	s27 =	simm.s32 $execute0_lowered;
	[smem:$0x3FD2] =	sst s26  }
0x1e: {  	s5 =	sshll.u32 s27, $0x1;
	_ =	strace $0x80000049;
	[dreg:$0x1] =	wrdreg $0xFFFFFFFF  }
0x1f: {  	s28 =	simm.s32 $_size_execute0_lowered;
	s3 =	sadd.s32 s3, s5;
	[dreg:$0x0] =	wrdreg $0x0  }
0x20: {  	s5 =	sshll.u32 s28, $0x1;
	[dreg:$0x2] =	wrdreg s3  }
0x21: {  	[dreg:$0x3] =	wrdreg s5  }
0x22: {  	[dreg:$0x4] =	wrdreg $0xC0  }
0x23: {  	_ =	task [dreg:s7], $0x5FFFF  }
0x24: {  	[dreg:$0x1] =	wrdreg $0xFFFFFFFF  }
0x25: {  	[dreg:$0x0] =	wrdreg $0x60  }
0x26: {  	[dreg:$0x2] =	wrdreg s25  }
0x27: {  	[dreg:$0x3] =	wrdreg s2  }
0x28: {  	[dreg:$0x4] =	wrdreg $0x9  }
0x29: {  	_ =	task.clear_ibuf [dreg:s7], $0x5FFFF;
	_ =	strace $0x90000049  }
0x2a: {  	s29 =	simm.s32 $0x9;
	_ =	strace $0x8000004B  }
0x2b: {  	_ =	swait.ge [sflag:s29], $0x1  }
0x2c: {  	[sflag:s29] =	ssyncadd.s32 $0xFFFFFFFF  }
0x2d: {  	_ =	strace $0x9000004B  }
0x2e: {  	_ =	sfence  }
0x2f: {  	s30 =	sld [smem:$0x0];
	_ =	sdelay $0x2  }
0x30: {  	s31 =	sshll.u32 s1, $0xD;
	s1 =	sshrl.u32 s1, $0x2  }
0x31: {  	s3 =	sand.u32 $0x4000, s31;
	s1 =	sadd.s32 s1, s30  }
0x32: {  	s0 =	sor.u32 s3, s0;
	s1 =	sshll.u32 s1, $0x11  }
0x33: {  	s0 =	sor.u32 s1, s0  }
0x34: {  	s0 =	sadd.s32 $0x8F2B, s0  }
0x35: {  	[sflag:s0] =	ssyncadd.remote.s32 $0x1  }
0x36: {  	_ =	sfence.sel $0xFFFF  }
0x37: {  	[dreg:$0x0] =	wrdreg $0xFFFFFFFF;
	(pc) =	sbr.abs _section_cstart, $3  }
0x38: {  	[dreg:$0x1] =	wrdreg $0xFFFFFFFF  }
0x39: {  	_ =	task.clear_ibuf [dreg:s7], $0x2FFFF;
	_ =	strace $0x9FFFFFFF  }
0x3a: {  	(tm) =	ssettm $0x7FFFFFFF  }
0x3b: {  	_ =	shalt  }
tec
execute0_lowered:
.L_overlay_start_1:
0x0: {  	(tag) =	ssettag $0x1  }
0x1: {  	s0 =	srdreg.scid;
	s6 =	rddreg [dreg:$0x0]  }
0x2: {  	s3 =	rddreg [dreg:$0x1];
	s1 =	sshll.u32 s0, $0x4  }
0x3: {  	s5 =	simm.s32 $0x1;
	s0 =	stileid.u32;
	s1 =	sand.u32 $0x10, s1  }
0x4: {  	s31 =	simm.s32 $0x2;
	s16 =	simm.s32 $0x0;
	s1 =	sor.u32 s0, s1  }
0x5: {  	s8 =	simm.s32 $0x8000;
	s18 =	simm.s32 $0x0;
	s2 =	sshll.u32 s1, $0x7  }
0x6: {  	s17 =	simm.s32 $0x0;
	s9 =	simm.s32 $0x0;
	s4 =	ssub.s32 $0x1000, s2  }
0x7: {  	s10 =	simm.s32 $0x0;
	s11 =	simm.s32 $0x0;
	s30 =	sand.u32 $0xF80, s4  }
0x8: {  	s12 =	simm.s32 $0x0;
	s13 =	simm.s32 $0x0;
	p0 =	sne.s32 s30, $0x0  }
.Ltmp0:
0x9: {  	s7 =	sshrl.u32 s4, $0xC;
	s5 =	simm.s32 @!p0 $0x0;
	(pc) =	sbr.rel .LBB1_1-.Ltmp0, $4  }
0xa: {  	s15 =	simm.s32 $0x0;
	s1 =	rddreg [dreg:$0x2];
	s5 =	sadd.s32 s5, s7  }
0xb: {  	_ =	strace $0x8000004A;
	s4 =	simm.s32 $0x1;
	s5 =	smul.u32 $0x96, s5  }
0xc: {  	s6 =	sadd.s32 $0x18E200, s6;
	s14 =	smov.u32 s2;
	[sflag:s4] =	ssyncpa.u1 $0x0  }
0xd: {  	[sflag:s31] =	ssyncpa.u1 $0x0;
	p0 =	por $0x0, $0x0;
	s7 =	sor.u32 $0x1, s5  }
.LBB1_4:
0xe: {  	s23 =	sshra.s32 s23, $0x2;
	s30 =	sshll.u32 s9, $0xC  }
0xf: {  	p1 =	sgt.s32 s10, $0x31;
	s24 =	smov.u32 s10;
	s25 =	sshra.s32 s10, $0x1F  }
0x10: {  	s26 =	sshll.u32 s11, $0x3;
	s28 =	smov.u32 s11;
	s29 =	sshra.s32 s11, $0x1F  }
0x11: {  	s22 =	sadd.s32 s23, s22;
	s24 =	simm.s32 @!p1 $0x31;
	s25 =	sand.u32 s25, s10  }
0x12: {  	s23 =	sand.u32 $0xFFFF8000, s30;
	s27 =	sand.u32 $0xFFFFFC00, s26;
	p1 =	sgt.s32 s9, $0xB0  }
0x13: {  	s31 =	sand.u32 s29, s11;
	s29 =	sshll.u32 s9, $0x7;
	s30 =	sshra.s32 s9, $0x1F  }
0x14: {  	[tilespmem:s21+$0x2040 ss:$0x81] =	vst.msk $0xffff, v4;
	s24 =	ssub.s32 s24, s25;
	s23 =	sadd.s32 s27, s23;
	s27 =	smov.u32 s9  }
0x15: {  	[tilespmem:s21+$0x2850 ss:$0x81] =	vst.msk $0xffff, v3;
	s29 =	sand.u32 $0x380, s29;
	s25 =	sadd.s32 $0xFFFFFFCF, s24;
	s27 =	simm.s32 @!p1 $0xB0  }
0x16: {  	v5 =	vld [tilespmem:s20+$0xFFFFFFD0];
	[tilespmem:s21+$0x3060 ss:$0x81] =	vst.msk $0xffff, v2;
	p1 =	sgt.s32 s11, $0xF80;
	s23 =	sshrl.u32 s23, $0xC;
	s24 =	ssub.s32 $0x32, s24  }
0x17: {  	v58 =	vld [tilespmem:s20+$0xFFFFFFE0];
	[tilespmem:s21+$0x0 ss:$0x81] =	vst.msk $0xffff, v1;
	s28 =	simm.s32 @!p1 $0xF80;
	p1 =	sgt.s32 s25, $0x0;
	s21 =	smulhi.u32 $0xD79436, s23  }
0x18: {  	v59 =	vld [tilespmem:s20+$0xFFFFFFF0];
	s25 =	ssub.s32 s28, s31;
	s28 =	sand.u32 s30, s9;
	s24 =	simm.s32 @p1 $0x0  }
0x19: {  	v60 =	vld [tilespmem:s20+$0x0];
	s27 =	ssub.s32 s27, s28;
	s31 =	sadd.s32 $0xFFFFF080, s25;
	s25 =	ssub.s32 $0x1000, s25  }
0x1a: {  	v61 =	vld [tilespmem:s20+$0x10];
	[tilespmem:s22+$0x3870 ss:$0x81] =	vst.msk $0xffff, v0;
	s21 =	smul.u32 $0x130, s21;
	s28 =	sand.u32 $0x7, s11;
	p1 =	sgt.s32 s31, $0x7F  }
0x1b: {  	v62 =	vld [tilespmem:s20+$0x20];
	[tilespmem:s22+$0x810 ss:$0x81] =	vst.msk $0xffff, v5;
	s30 =	sadd.s32 $0xFFFFFF50, s27;
	s31 =	sand.u32 $0x78, s11;
	s25 =	simm.s32 @p1 $0x0  }
0x1c: {  	v63 =	vld [tilespmem:s20+$0xFFFFFFC0];
	[tilespmem:s22+$0x1020 ss:$0x81] =	vst.msk $0xffff, v58;
	p1 =	sgt.s32 s30, $0x7F;
	s30 =	sand.u32 $0xC00, s26;
	s24 =	smul.u32 s25, s24  }
0x1d: {  	[tilespmem:s22+$0x1830 ss:$0x81] =	vst.msk $0xffff, v59;
	s26 =	ssub.s32 $0x130, s27;
	s20 =	sor.u32 s31, s30;
	s31 =	smul.u32 $0x26000, s10  }
0x1e: {  	[tilespmem:s22+$0x2040 ss:$0x81] =	vst.msk $0xffff, v60;
	s21 =	ssub.s32 s23, s21;
	s26 =	simm.s32 @p1 $0x0;
	s20 =	sor.u32 s29, s20  }
0x1f: {  	[tilespmem:s22+$0x2850 ss:$0x81] =	vst.msk $0xffff, v61;
	s26 =	smul.u32 s26, s24;
	s20 =	sshrl.u32 s20, $0x3;
	s27 =	sadd.s32 s3, s31  }
0x20: {  	[tilespmem:s22+$0x3060 ss:$0x81] =	vst.msk $0xffff, v62;
	s21 =	sshll.u32 s21, $0x9;
	s29 =	sshll.u32 s28, $0x12;
	s20 =	sadd.s32 s20, s27  }
0x21: {  	[tilespmem:s22+$0x0 ss:$0x81] =	vst.msk $0xffff, v63;
	s31 =	sor.u32 $0x400, s29;
	s30 =	sand.u32 $0x3FFFFFFF, s26;
	s20 =	sadd.s32 s21, s20  }
0x22: {  	[hbm4b:s20+s31] =	stream.strided.scatter [tilespmem:s19], [sflag:$0x2], s30, s8, s31, $0x20;
	[tilespmem:$0x10100] =	vst v63  }
.LBB1_5:
0x23: {  	p1 =	slt.u32 s15, $0x2  }
0x24: {  	p2 =	sgt.s32 @!p1 s18, $0x31  }
0x25: {  	s19 =	smov.u32 s18;
	s20 =	sshra.s32 @!p1 s18, $0x1F;
	p2 =	por !p2, p1  }
0x26: {  	s18 =	sand.u32 @!p1 s20, s18;
	s19 =	simm.s32 @p2 $0x31  }
0x27: {  	p3 =	sgt.s32 @!p1 s16, $0xB0;
	s18 =	ssub.s32 @!p1 s19, s18  }
0x28: {  	p4 =	sgt.s32 @!p1 s17, $0xF80;
	s21 =	sshra.s32 @!p1 s17, $0x1F;
	s19 =	sadd.s32 @!p1 $0xFFFFFFCF, s18  }
0x29: {  	s20 =	smov.u32 s16;
	p2 =	sgt.s32 @!p1 s19, $0x0;
	s19 =	sshra.s32 @!p1 s16, $0x1F  }
0x2a: {  	p4 =	por !p4, p1;
	s16 =	sand.u32 @!p1 s19, s16;
	s19 =	smov.u32 s17  }
0x2b: {  	p3 =	por !p3, p1;
	s17 =	sand.u32 @!p1 s21, s17;
	s19 =	simm.s32 @p4 $0xF80  }
0x2c: {  	s20 =	simm.s32 @p3 $0xB0;
	s18 =	ssub.s32 @!p1 $0x32, s18;
	s17 =	ssub.s32 @!p1 s19, s17  }
0x2d: {  	p2 =	por !p2, p1;
	s16 =	ssub.s32 @!p1 s20, s16;
	s20 =	sadd.s32 @!p1 $0xFFFFF080, s17  }
0x2e: {  	s18 =	simm.s32 @!p2 $0x0;
	p3 =	sgt.s32 @!p1 s20, $0x7F  }
0x2f: {  	s19 =	sadd.s32 @!p1 $0xFFFFFF50, s16;
	s17 =	ssub.s32 @!p1 $0x1000, s17;
	p3 =	por !p3, p1  }
0x30: {  	p2 =	sgt.s32 @!p1 s19, $0x7F;
	s19 =	sadd.s32 $0x80, s12;
	s17 =	simm.s32 @!p3 $0x0  }
0x31: {  	p3 =	sgt.s32 s19, $0x12B;
	s17 =	smul.u32 @!p1 s17, s18;
	s18 =	simm.s32 $0x1  }
0x32: {  	s16 =	ssub.s32 @!p1 $0x130, s16;
	p2 =	por !p2, p1;
	s18 =	simm.s32 @!p3 $0x0  }
0x33: {  	s21 =	smov.u32 s14;
	s16 =	simm.s32 @!p2 $0x0;
	s20 =	sadd.s32 s18, s13  }
0x34: {  	s16 =	smul.u32 @!p1 s16, s17;
	s17 =	sadd.s32 $0x1000, s14;
	p2 =	sgt.s32 s20, $0x31  }
0x35: {  	p0 =	por !p0, !p0;
	s22 =	simm.s32 @!p1 $0x2;
	s21 =	smov.u32 @p2 s17  }
0x36: {  	s19 =	simm.s32 @p3 $0x0;
	s20 =	simm.s32 @p2 $0x0;
	p2 =	sgt.s32 s21, $0xFFF  }
0x37: {  	s18 =	smov.u32 s10;
	s21 =	smov.u32 @p2 s2;
	p2 =	sne.s32 s15, s7  }
.Ltmp1:
0x38: {  	s10 =	smov.u32 s13;
	s16 =	sand.u32 @!p1 $0x3FFFFFFF, s16;
	(pc) =	sbr.rel @!p2 .LBB1_6-.Ltmp1, $4  }
0x39: {  	s17 =	smov.u32 s11;
	s11 =	smov.u32 s14;
	_ =	swait.ge @!p1 [sflag:s22], s16  }
0x3a: {  	s23 =	ssub.s32 @!p1 $0x0, s16;
	s16 =	smov.u32 s9;
	s9 =	smov.u32 s12  }
0x3b: {  	s12 =	smov.u32 s19;
	s13 =	smov.u32 s20;
	[sflag:s22] =	ssyncset.done @!p1 $0x0  }
0x3c: {  	s15 =	sadd.s32 $0x1, s15;
	[sflag:s22] =	ssyncadd.s32 @!p1 s23;
	s14 =	smov.u32 s21  }
.LBB1_1:
0x3d: {  	p1 =	sge.u32 s15, s5  }
0x3e: {  	s19 =	sshrl.u32 @!p1 s13, $0x3  }
0x3f: {  	s20 =	sshll.u32 @!p1 s12, $0x3;
	s19 =	smul.u32 @!p1 $0xC00, s19  }
0x40: {  	s21 =	sshll.u32 @!p1 s13, $0x7;
	s20 =	sand.u32 @!p1 $0xFFFFFC00, s20  }
0x41: {  	s19 =	sadd.s32 @!p1 s19, s20;
	s20 =	sand.u32 @!p1 $0x380, s21  }
0x42: {  	s19 =	sor.u32 @!p1 s20, s19  }
0x43: {  	s20 =	sand.u32 @!p1 $0x7F, s12;
	s21 =	smulhi.u32 @!p1 $0xAAAAAAAB, s19  }
0x44: {  	s19 =	sor.u32 @!p1 s20, s19  }
0x45: {  	s20 =	smulhi.u32 @!p1 $0xAAAAAAAB, s19;
	s21 =	sshrl.u32 @!p1 s21, $0x8  }
0x46: {  	s22 =	smulhi.u32 @!p1 $0x4924925, s21;
	_ =	sdelay $0x1  }
0x47: {  	s20 =	sshrl.u32 @!p1 s20, $0x8;
	s22 =	smul.u32 @!p1 $0x38, s22  }
0x48: {  	s31 =	sadd.s32 $0xFFFFFFFF, s15;
	s20 =	smul.u32 @!p1 $0x180, s20  }
0x49: {  	s23 =	sxor.u32 @!p1 $0xFFFFFFFF, s15;
	s21 =	ssub.s32 @!p1 s21, s22;
	s22 =	smul.u32 @!p1 $0xA80, s14  }
0x4a: {  	s23 =	sshll.u32 @!p1 s23, $0xE;
	s19 =	ssub.s32 @!p1 s19, s20;
	s20 =	smul.u32 @!p1 $0x30, s21  }
0x4b: {  	s21 =	sand.u32 @!p1 $0x4000, s23;
	s23 =	sand.u32 @!p1 $0x7, s19;
	s22 =	sadd.s32 @!p1 s6, s22  }
0x4c: {  	s19 =	sshrl.u32 @!p1 s19, $0x3;
	s20 =	sadd.s32 @!p1 s20, s22;
	s22 =	sshll.u32 @!p1 s23, $0x12  }
0x4d: {  	s19 =	sadd.s32 @!p1 s19, s20;
	s20 =	sor.u32 @!p1 $0x80, s22;
	s22 =	simm.s32 @!p1 $0x5400  }
0x4e: {  	[tilespmem:s21], [sflag:$0x1] =	stream.strided.gather @!p1 [hbm4b:s19+s20], $0x4000, s22, s20, $0x38;
	[tilespmem:$0x10100] =	vst v63  }
0x4f: {  	p1 =	sge.u32 s31, s5  }
.Ltmp2:
0x50: {  	_ = 	snop;
	(pc) =	sbr.rel @p1 .LBB1_5-.Ltmp2, $1  }
0x51: {  	_ =	sdelay $0x3  }
0x52: {  	s19 =	simm.s32 $0x1  }
0x53: {  	_ =	swait.ge [sflag:s4], $0x4000;
	s19 =	simm.s32 @!p0 $0x0  }
0x54: {  	[sflag:s4] =	ssyncset.done $0x0;
	s20 =	sshll.u32 s19, $0xE  }
0x55: {  	[sflag:s4] =	ssyncadd.s32 $0xFFFFC000;
	s20 =	sor.u32 $0x40, s20  }
0x56: {  	s19 =	smul.u32 $0x10200, s19;
	v0 =	vld [tilespmem:s20+$0x30]  }
0x57: {  	v1 =	vld [tilespmem:s20+$0xFFFFFFD0]  }
0x58: {  	s19 =	sshrl.u32 s19, $0x2;
	v5 =	vld [tilespmem:s20+$0xFFFFFFE0]  }
0x59: {  	v6 =	vld [tilespmem:s20+$0xFFFFFFF0];
	s22 =	sor.u32 $0x8000, s19  }
0x5a: {  	s31 =	sand.u32 $0x1, s15;
	v4 =	vld [tilespmem:s20+$0x0];
	s21 =	sadd.s32 $0x0, s22  }
0x5b: {  	v3 =	vld [tilespmem:s20+$0x10];
	s19 =	smul.u32 $0x10200, s31;
	[tilespmem:s21+$0x3870 ss:$0x81] =	vst.msk $0xffff, v0  }
0x5c: {  	v2 =	vld [tilespmem:s20+$0x20];
	[tilespmem:s21+$0x810 ss:$0x81] =	vst.msk $0xffff, v1  }
0x5d: {  	s19 =	sshrl.u32 s19, $0x2;
	v1 =	vld [tilespmem:s20+$0xFFFFFFC0];
	[tilespmem:s21+$0x1020 ss:$0x81] =	vst.msk $0xffff, v5;
	s20 =	sadd.s32 $0x80, s20  }
0x5e: {  	s23 =	simm.s32 $0x4;
	s24 =	simm.s32 $0x8;
	s19 =	sor.u32 $0x8000, s19;
	[tilespmem:s21+$0x1830 ss:$0x81] =	vst.msk $0xffff, v6;
	v0 =	vld [tilespmem:s20+$0x30]  }
.LBB1_3:
0x5f: {  	p1 =	sne.s32 s24, $0x1FC;
	v5 =	vld [tilespmem:s20+$0xFFFFFFD0];
	[tilespmem:s21+$0x2040 ss:$0x81] =	vst.msk $0xffff, v4  }
0x60: {  	v6 =	vld [tilespmem:s20+$0xFFFFFFE0];
	[tilespmem:s21+$0x2850 ss:$0x81] =	vst.msk $0xffff, v3  }
0x61: {  	s25 =	sshra.s32 s23, $0x2;
	s23 =	smov.u32 s24;
	v7 =	vld [tilespmem:s20+$0xFFFFFFF0];
	[tilespmem:s21+$0x3060 ss:$0x81] =	vst.msk $0xffff, v2  }
.Ltmp3:
0x62: {  	v4 =	vld [tilespmem:s20+$0x0];
	[tilespmem:s21+$0x0 ss:$0x81] =	vst.msk $0xffff, v1;
	s21 =	sadd.s32 s25, s22;
	(pc) =	sbr.rel @p1 .LBB1_3-.Ltmp3, $4  }
0x63: {  	v3 =	vld [tilespmem:s20+$0x10];
	[tilespmem:s21+$0x3870 ss:$0x81] =	vst.msk $0xffff, v0  }
0x64: {  	[tilespmem:s21+$0x810 ss:$0x81] =	vst.msk $0xffff, v5;
	v2 =	vld [tilespmem:s20+$0x20]  }
0x65: {  	v1 =	vld [tilespmem:s20+$0xFFFFFFC0];
	[tilespmem:s21+$0x1020 ss:$0x81] =	vst.msk $0xffff, v6;
	s20 =	sadd.s32 $0x80, s20  }
0x66: {  	s24 =	sadd.s32 $0x4, s24;
	v0 =	vld [tilespmem:s20+$0x30];
	[tilespmem:s21+$0x1830 ss:$0x81] =	vst.msk $0xffff, v7  }
.Ltmp4:
0x67: {  	_ = 	snop;
	(pc) =	sbr.rel .LBB1_4-.Ltmp4, $1  }
0x68: {  	_ =	sdelay $0x3  }
.LBB1_6:
0x69: {  	_ =	sfence.sel $0x180000  }
0x6a: {  	s2 =	simm.s32 $0x1;
	[bflag:$0x0] =	sbarrier.arrive $0xFFFF  }
0x6b: {  	s31 =	simm.s32 $0x2;
	[sflag:s2] =	ssyncpa.u1 $0x1  }
0x6c: {  	[sflag:s31] =	ssyncpa.u1 $0x1  }
0x6d: {  	p0 =	sne.s32 s0, $0x0;
	_ =	strace $0x9000004A  }
0x6e: {  	s0 =	sadd.s32 @!p0 $0x100000, s1;
	[bflag:$0x2] =	sbarrier.arrive $0xFFFF  }
0x6f: {  	[sflag:s0] =	ssyncadd.tile.s32 @!p0 $0x1;
	_ =	shalt  }
.Lfunc_end1:
_tile_overlayer_lowered:
.L_overlay_start_2:
0x70: {  	(tag) =	ssettag $0x2  }
0x71: {  	s0 =	rddreg [dreg:$0x0];
	s2 =	stileid.u32  }
0x72: {  	s1 =	rddreg [dreg:$0x1];
	p0 =	sne.s32 s2, $0x0  }
0x73: {  	s3 =	rddreg [dreg:$0x2];
	[bflag:$0x3] =	sbarrier.arrive $0xFFFF;
	s2 =	simm.s32 @!p0 $0x1C01  }
0x74: {  	[timem:s3], [sflag:s2] =	dma.local @!p0 [hbm:s0], s1  }
0x75: {  	s0 =	simm.s32 @!p0 $0x1  }
0x76: {  	_ =	swait.ge @!p0 [sflag:s0], s1  }
0x77: {  	s1 =	ssub.s32 @!p0 $0x0, s1;
	[sflag:s0] =	ssyncset.done @!p0 $0x0  }
0x78: {  	[sflag:s0] =	ssyncadd.s32 @!p0 s1  }
0x79: {  	[bflag:$0x3] =	sbarrier.arrive $0xFFFF  }
0x7a: {  	_ =	shalt  }

</sc_bundles>
